<compile_context>
chip_gen: v7x
topology: tpu7x:2x2x1
jax: 0.10.2.dev20260603
libtpu: 0.0.44.dev20260713+nightly
codegen_flags: <defaults>
</compile_context>

<pallas_src>
import jax
import jax.numpy as jnp
from jax.experimental import pallas as pl
from jax.experimental.pallas import tpu as pltpu

V = 100000
VPAD = 100352
SUB = 784
NSEL = 64
REPLACE_VAL = -1000000000000.0
NEG_BIG = -3.4e38
F32_TINY = 1.1754944e-38


def _threefry_xor_bits(flat_idx):
    rot0 = (13, 15, 26, 6)
    rot1 = (17, 29, 16, 24)
    ks0 = jnp.int32(0)
    ks1 = jnp.int32(0)
    ks2 = jnp.int32(0x1BD11BDA)
    ks = (ks0, ks1, ks2)

    def rotl(x, d):
        return jax.lax.shift_left(x, jnp.int32(d)) | jax.lax.shift_right_logical(
            x, jnp.int32(32 - d))

    x0 = jnp.zeros_like(flat_idx) + ks0
    x1 = flat_idx + ks1
    for i in range(5):
        rots = rot0 if i % 2 == 0 else rot1
        for r in rots:
            x0 = x0 + x1
            x1 = rotl(x1, r)
            x1 = x0 ^ x1
        x0 = x0 + ks[(i + 1) % 3]
        x1 = x1 + ks[(i + 2) % 3] + jnp.int32(i + 1)
    return x0 ^ x1


def _gumbel_from_idx(flat_idx):
    bits = _threefry_xor_bits(flat_idx)
    fb = jax.lax.shift_right_logical(bits, jnp.int32(9)) | jnp.int32(0x3F800000)
    f = jax.lax.bitcast_convert_type(fb, jnp.float32) - jnp.float32(1.0)
    tiny = jnp.float32(F32_TINY)
    u = jnp.maximum(tiny, f * (jnp.float32(1.0) - tiny) + tiny)
    return -jnp.log(-jnp.log(u))


def _sample_kernel(logits_ref, topk_ref, topp_ref, temp_ref, out_ref):
    r = pl.program_id(0)
    w = logits_ref[0]
    sub_iota = jax.lax.broadcasted_iota(jnp.int32, (SUB, 128), 0)
    lane_iota = jax.lax.broadcasted_iota(jnp.int32, (SUB, 128), 1)
    flat_local = sub_iota * 128 + lane_iota

    top_k = topk_ref[r]
    top_p = topp_ref[r]
    temp = temp_ref[r]
    k = jnp.clip(top_k, 1, NSEL).astype(jnp.int32)
    col64 = jax.lax.broadcasted_iota(jnp.int32, (1, NSEL), 1)
    big_idx = jnp.int32(2**31 - 1)

    half = SUB // 2
    h1 = w[:half, :]
    h2 = w[half:, :]
    w2_0 = jnp.maximum(h1, h2)
    wmin_0 = jnp.minimum(h1, h2)

    def kth_of(topv):
        return jnp.sum(jnp.where(col64 == k - 1, topv, jnp.float32(0.0)))

    def cond(carry):
        _, _, topv, filled, mcur = carry
        more_dups = (mcur == kth_of(topv)) & (filled < NSEL)
        return (filled < k) | more_dups

    def body(carry):
        w2, wmin, topv, filled, mcur = carry
        eq = w2 == mcur
        c = jnp.sum(jnp.where(eq, jnp.int32(1), jnp.int32(0)))
        topv = jnp.where((col64 >= filled) & (col64 < filled + c), mcur, topv)
        w2 = jnp.where(eq, wmin, w2)
        wmin = jnp.where(eq, jnp.float32(NEG_BIG), wmin)
        return w2, wmin, topv, filled + c, jnp.max(w2)

    topv0 = jnp.full((1, NSEL), NEG_BIG, dtype=jnp.float32)
    _, _, topv, _, _ = jax.lax.while_loop(
        cond, body, (w2_0, wmin_0, topv0, jnp.int32(0), jnp.max(w2_0)))

    kth = jnp.sum(jnp.where(col64 == k - 1, topv, jnp.float32(0.0)))
    m0 = jnp.max(topv)

    e = jnp.exp(topv - m0)
    e = jnp.where(topv >= kth, e, jnp.float32(0.0))
    s = jnp.sum(e)
    probs = e / s
    def cumbody(j, carry):
        acc, cum = carry
        pj = jnp.sum(jnp.where(col64 == j, probs, jnp.float32(0.0)))
        acc = acc + pj
        cum = jnp.where(col64 == j, acc, cum)
        return acc, cum

    _, cum = jax.lax.fori_loop(
        0, NSEL, cumbody,
        (jnp.float32(0.0), jnp.zeros((1, NSEL), jnp.float32)))
    keep = (cum - probs) <= top_p
    inf = jnp.float32(jnp.inf)
    tp_thresh = jnp.min(jnp.where(keep, probs, inf))
    last = jnp.max(cum)
    tp_thresh = jnp.where(last <= top_p, jnp.float32(0.0), tp_thresh)

    keptflag = (probs >= tp_thresh) & (topv >= kth)
    v_final = jnp.min(jnp.where(keptflag, topv, inf))

    flat_global = r * V + flat_local
    val = jnp.where(w >= v_final, w / temp + _gumbel_from_idx(flat_global),
                    jnp.float32(NEG_BIG))
    vm = jnp.max(val)
    out_ref[r] = jnp.min(jnp.where(val == vm, flat_local, big_idx))


def _greedy_kernel(logits_ref, out_ref):
    w = logits_ref[0]
    sub_iota = jax.lax.broadcasted_iota(jnp.int32, (SUB, 128), 0)
    lane_iota = jax.lax.broadcasted_iota(jnp.int32, (SUB, 128), 1)
    flat_local = sub_iota * 128 + lane_iota
    m = jnp.max(w)
    out_ref[pl.program_id(0)] = jnp.min(
        jnp.where(w == m, flat_local, jnp.int32(2**31 - 1)))


@jax.jit
def kernel(logits, top_k, top_p, temperature, do_greedy):
    n = logits.shape[0]
    padded = jnp.pad(logits, ((0, 0), (0, VPAD - V)),
                     constant_values=NEG_BIG).reshape(n, SUB, 128)

    def _sample(x):
        return pl.pallas_call(
            _sample_kernel,
            grid=(n,),
            in_specs=[
                pl.BlockSpec((1, SUB, 128), lambda r: (r, 0, 0)),
                pl.BlockSpec(memory_space=pltpu.SMEM),
                pl.BlockSpec(memory_space=pltpu.SMEM),
                pl.BlockSpec(memory_space=pltpu.SMEM),
            ],
            out_specs=pl.BlockSpec(memory_space=pltpu.SMEM),
            out_shape=jax.ShapeDtypeStruct((n,), jnp.int32),
            compiler_params=pltpu.CompilerParams(
                dimension_semantics=("parallel",)),
        )(x, top_k.astype(jnp.int32), top_p, temperature)

    def _greedy(x):
        return pl.pallas_call(
            _greedy_kernel,
            grid=(n,),
            in_specs=[pl.BlockSpec((1, SUB, 128), lambda r: (r, 0, 0))],
            out_specs=pl.BlockSpec(memory_space=pltpu.SMEM),
            out_shape=jax.ShapeDtypeStruct((n,), jnp.int32),
        )(x)

    return jax.lax.cond(do_greedy, _greedy, _sample, padded)

# --- scband reference (transcript-rebuilt; emitter-appended) ---
"""Pipeline reference for scband-sampler-90323162235417 (READ-ONLY COPY).

The authoritative reference and input builder live on the scoring server;
editing this copy changes nothing except your own understanding.
"""

import jax, jax.numpy as jnp
import numpy as np

REPLACE_VAL = -1000000000000.0

def topk_mask(logits, top_k, replace_val):
    V = logits.shape[-1]
    sorted_desc = -jnp.sort(-logits, axis=-1)
    k = jnp.clip(top_k, 1, V).astype(jnp.int32)
    thresh = jnp.take_along_axis(sorted_desc, (k - 1)[:, None], axis=-1)
    return jnp.where(logits < thresh, replace_val, logits)

def topp_mask(logits, top_p, replace_val):
    probs = jax.nn.softmax(logits, axis=-1)
    sorted_probs = -jnp.sort(-probs, axis=-1)
    cum = jnp.cumsum(sorted_probs, axis=-1)
    keep = (cum - sorted_probs) <= top_p[:, None]
    thresh = jnp.min(jnp.where(keep, sorted_probs, jnp.inf), axis=-1, keepdims=True)
    return jnp.where(probs < thresh, replace_val, logits)

def setup_inputs(seed: int = 0):
    key = jax.random.key(seed)
    k1, k2, k3, k4 = jax.random.split(key, 4)
    logits = jax.random.normal(k1, (128, 100000), dtype=jnp.float32)
    top_k = jax.random.randint(k2, (128,), 0, 64)
    top_p = jax.random.uniform(k3, (128,), dtype=jnp.float32)
    temperature = jax.random.uniform(k4, (128,), dtype=jnp.float32) * 0.9 + 0.1
    do_greedy = jnp.zeros((), dtype=jnp.bool_)
    return {"logits": logits, "top_k": top_k, "top_p": top_p, "temperature": temperature, "do_greedy": do_greedy}

def reference(logits, top_k, top_p, temperature, do_greedy):
    key = jax.random.key(0)

    def _do_greedy(l):
        return jnp.argmax(l, axis=-1)

    def _do_sampling(l):
        l = topk_mask(l, top_k, REPLACE_VAL)
        l = topp_mask(l, top_p, REPLACE_VAL)
        l = l / temperature[:, None]
        return jax.random.categorical(key, l, axis=-1)

    return jax.lax.cond(do_greedy, _do_greedy, _do_sampling, logits)

if __name__ == "__main__":
    import jax
    _d = setup_inputs()
    print(jax.jit(kernel)(*tuple(_d.values())))

</pallas_src>

<mosaic_0001>
module attributes {stable_mosaic.version = 14 : i64} {
  func.func @_greedy_kernel(%arg0: i32, %arg1: memref<1x784x128xf32, #tpu.memory_space<vmem>>, %arg2: memref<128xi32, #tpu.memory_space<smem>>) attributes {dimension_semantics = [#tpu.dimension_semantics<arbitrary>], iteration_bounds = array<i64: 128>, scalar_prefetch = 0 : i64, scratch_operands = 0 : i64, tpu.core_type = #tpu.core_type<tc>, window_params = [{transform_indices = @transform_0, window_bounds = array<i64: 1, 784, 128>}, {transform_indices = @transform_1, window_bounds = array<i64: 128>}]} {
    %get3A = arith.constant 0 : index
    %get3A_0 = arith.constant 0 : index
    %get3A_1 = arith.constant 0 : index
    %get3A_2 = vector.load %arg1[%get3A, %get3A_0, %get3A_1] : memref<1x784x128xf32, #tpu.memory_space<vmem>>, vector<1x784x128xf32>
    %get3A_3 = vector.shape_cast %get3A_2 : vector<1x784x128xf32> to vector<784x128xf32>
    %iota3A = tpu.iota {dimensions = array<i32: 0>} : vector<784x128xi32>
    %iota3A_4 = tpu.iota {dimensions = array<i32: 1>} : vector<784x128xi32>
    %mul3A = arith.constant 128 : i32
    %mul3A_5 = vector.broadcast %mul3A : i32 to vector<784x128xi32>
    %mul3A_6 = arith.muli %iota3A, %mul3A_5 : vector<784x128xi32>
    %add3A = arith.addi %mul3A_6, %iota3A_4 : vector<784x128xi32>
    %reduce_max3A = vector.shape_cast %get3A_3 : vector<784x128xf32> to vector<1x784x128xf32>
    %reduce_max3A_7 = arith.constant dense<0xFF800000> : vector<1xf32>
    %reduce_max3A_8 = vector.multi_reduction <maximumf>, %reduce_max3A, %reduce_max3A_7 [1, 2] : vector<1x784x128xf32> to vector<1xf32>
    %reduce_max3A_9 = vector.shape_cast %reduce_max3A_8 : vector<1xf32> to vector<1x1x1xf32>
    %reduce_max3A_10 = vector.extract %reduce_max3A_9[0, 0, 0] : f32 from vector<1x1x1xf32>
    %eq3A = vector.broadcast %reduce_max3A_10 : f32 to vector<784x128xf32>
    %eq3A_11 = arith.cmpf oeq, %get3A_3, %eq3A : vector<784x128xf32>
    %jit3A = arith.constant 2147483647 : i32
    %broadcast_in_dim3A = vector.broadcast %jit3A : i32 to vector<784x128xi32>
    %select_n3A = arith.select %eq3A_11, %add3A, %broadcast_in_dim3A : vector<784x128xi1>, vector<784x128xi32>
    %reduce_min3A = vector.shape_cast %select_n3A : vector<784x128xi32> to vector<1x784x128xi32>
    %reduce_min3A_12 = arith.constant dense<2147483647> : vector<1xi32>
    %reduce_min3A_13 = vector.multi_reduction <minsi>, %reduce_min3A, %reduce_min3A_12 [1, 2] : vector<1x784x128xi32> to vector<1xi32>
    %reduce_min3A_14 = vector.shape_cast %reduce_min3A_13 : vector<1xi32> to vector<1x1x1xi32>
    %reduce_min3A_15 = vector.extract %reduce_min3A_14[0, 0, 0] : i32 from vector<1x1x1xi32>
    %swap3A = arith.index_cast %arg0 : i32 to index
    %swap3A_16 = memref.load %arg2[%swap3A] : memref<128xi32, #tpu.memory_space<smem>>
    memref.store %reduce_min3A_15, %arg2[%swap3A] : memref<128xi32, #tpu.memory_space<smem>>
    return
  }
  func.func @transform_0(%arg0: i32) -> (i32, i32, i32) {
    %c0_i32 = arith.constant 0 : i32
    %c0_i32_0 = arith.constant 0 : i32
    %c0_i32_1 = arith.constant 0 : i32
    return %arg0, %c0_i32, %c0_i32_0 : i32, i32, i32
  }
  func.func @transform_1(%arg0: i32) -> i32 {
    %c0_i32 = arith.constant 0 : i32
    %c0_i32_0 = arith.constant 0 : i32
    return %c0_i32 : i32
  }
}

module attributes {stable_mosaic.version = 14 : i64} {
  func.func @_sample_kernel(%arg0: i32, %arg1: memref<1x784x128xf32, #tpu.memory_space<vmem>>, %arg2: memref<128xi32, #tpu.memory_space<smem>>, %arg3: memref<128xf32, #tpu.memory_space<smem>>, %arg4: memref<128xf32, #tpu.memory_space<smem>>, %arg5: memref<128xi32, #tpu.memory_space<smem>>) attributes {dimension_semantics = [#tpu.dimension_semantics<parallel>], iteration_bounds = array<i64: 128>, scalar_prefetch = 0 : i64, scratch_operands = 0 : i64, tpu.core_type = #tpu.core_type<tc>, window_params = [{transform_indices = @transform_0, window_bounds = array<i64: 1, 784, 128>}, {transform_indices = @transform_1, window_bounds = array<i64: 128>}, {transform_indices = @transform_2, window_bounds = array<i64: 128>}, {transform_indices = @transform_3, window_bounds = array<i64: 128>}, {transform_indices = @transform_4, window_bounds = array<i64: 128>}]} {
    %get3A = arith.constant 0 : index
    %get3A_0 = arith.constant 0 : index
    %get3A_1 = arith.constant 0 : index
    %get3A_2 = vector.load %arg1[%get3A, %get3A_0, %get3A_1] : memref<1x784x128xf32, #tpu.memory_space<vmem>>, vector<1x784x128xf32>
    %get3A_3 = vector.shape_cast %get3A_2 : vector<1x784x128xf32> to vector<784x128xf32>
    %iota3A = tpu.iota {dimensions = array<i32: 0>} : vector<784x128xi32>
    %iota3A_4 = tpu.iota {dimensions = array<i32: 1>} : vector<784x128xi32>
    %mul3A = arith.constant 128 : i32
    %mul3A_5 = vector.broadcast %mul3A : i32 to vector<784x128xi32>
    %mul3A_6 = arith.muli %iota3A, %mul3A_5 : vector<784x128xi32>
    %add3A = arith.addi %mul3A_6, %iota3A_4 : vector<784x128xi32>
    %get3A_7 = arith.index_cast %arg0 : i32 to index
    %get3A_8 = memref.load %arg2[%get3A_7] : memref<128xi32, #tpu.memory_space<smem>>
    %get3A_9 = arith.index_cast %arg0 : i32 to index
    %get3A_10 = memref.load %arg3[%get3A_9] : memref<128xf32, #tpu.memory_space<smem>>
    %get3A_11 = arith.index_cast %arg0 : i32 to index
    %get3A_12 = memref.load %arg4[%get3A_11] : memref<128xf32, #tpu.memory_space<smem>>
    %jit3A = arith.constant 1 : i32
    %jit3A_13 = arith.constant 64 : i32
    %max3A = arith.maxsi %jit3A, %get3A_8 : i32
    %min3A = arith.minsi %jit3A_13, %max3A : i32
    %iota3A_14 = tpu.iota {dimensions = array<i32: 1>} : vector<1x64xi32>
    %slice3A = vector.extract_strided_slice %get3A_3 {offsets = [0, 0], sizes = [392, 128], strides = [1, 1]} : vector<784x128xf32> to vector<392x128xf32>
    %slice3A_15 = vector.extract_strided_slice %get3A_3 {offsets = [392, 0], sizes = [392, 128], strides = [1, 1]} : vector<784x128xf32> to vector<392x128xf32>
    %max3A_16 = arith.maximumf %slice3A, %slice3A_15 : vector<392x128xf32>
    %min3A_17 = arith.minimumf %slice3A, %slice3A_15 : vector<392x128xf32>
    %broadcast_in_dim3A = arith.constant -3.400000e+38 : f32
    %broadcast_in_dim3A_18 = vector.broadcast %broadcast_in_dim3A : f32 to vector<1x64xf32>
    %reduce_max3A = vector.shape_cast %max3A_16 : vector<392x128xf32> to vector<1x392x128xf32>
    %reduce_max3A_19 = arith.constant dense<0xFF800000> : vector<1xf32>
    %reduce_max3A_20 = vector.multi_reduction <maximumf>, %reduce_max3A, %reduce_max3A_19 [1, 2] : vector<1x392x128xf32> to vector<1xf32>
    %reduce_max3A_21 = vector.shape_cast %reduce_max3A_20 : vector<1xf32> to vector<1x1x1xf32>
    %reduce_max3A_22 = vector.extract %reduce_max3A_21[0, 0, 0] : f32 from vector<1x1x1xf32>
    %while3A = arith.constant 0 : i32
    %while3A_23:5 = scf.while (%while3A_370 = %max3A_16, %while3A_371 = %min3A_17, %while3A_372 = %broadcast_in_dim3A_18, %while3A_373 = %while3A, %while3A_374 = %reduce_max3A_22) : (vector<392x128xf32>, vector<392x128xf32>, vector<1x64xf32>, i32, f32) -> (vector<392x128xf32>, vector<392x128xf32>, vector<1x64xf32>, i32, f32) {
      %sub3A_375 = arith.constant 1 : i32
      %sub3A_376 = arith.subi %min3A, %sub3A_375 : i32
      %eq3A_377 = vector.broadcast %sub3A_376 : i32 to vector<1x64xi32>
      %eq3A_378 = arith.cmpi eq, %iota3A_14, %eq3A_377 : vector<1x64xi32>
      %jit3A_379 = arith.constant 0.000000e+00 : f32
      %broadcast_in_dim3A_380 = vector.broadcast %jit3A_379 : f32 to vector<1x64xf32>
      %select_n3A_381 = arith.select %eq3A_378, %while3A_372, %broadcast_in_dim3A_380 : vector<1x64xi1>, vector<1x64xf32>
      %reduce_sum3A_382 = vector.shape_cast %select_n3A_381 : vector<1x64xf32> to vector<1x1x64xf32>
      %reduce_sum3A_383 = arith.constant dense<0.000000e+00> : vector<1xf32>
      %reduce_sum3A_384 = vector.multi_reduction <add>, %reduce_sum3A_382, %reduce_sum3A_383 [1, 2] : vector<1x1x64xf32> to vector<1xf32>
      %reduce_sum3A_385 = vector.shape_cast %reduce_sum3A_384 : vector<1xf32> to vector<1x1x1xf32>
      %reduce_sum3A_386 = vector.extract %reduce_sum3A_385[0, 0, 0] : f32 from vector<1x1x1xf32>
      %eq3A_387 = arith.cmpf oeq, %while3A_374, %reduce_sum3A_386 : f32
      %lt3A = arith.constant 64 : i32
      %lt3A_388 = arith.cmpi slt, %while3A_373, %lt3A : i32
      %and3A_389 = arith.andi %eq3A_387, %lt3A_388 : i1
      %lt3A_390 = arith.cmpi slt, %while3A_373, %min3A : i32
      %or3A_391 = arith.ori %lt3A_390, %and3A_389 : i1
      scf.condition(%or3A_391) %while3A_370, %while3A_371, %while3A_372, %while3A_373, %while3A_374 : vector<392x128xf32>, vector<392x128xf32>, vector<1x64xf32>, i32, f32
    } do {
    ^bb0(%while3A_370: vector<392x128xf32>, %while3A_371: vector<392x128xf32>, %while3A_372: vector<1x64xf32>, %while3A_373: i32, %while3A_374: f32):
      %eq3A_375 = vector.broadcast %while3A_374 : f32 to vector<392x128xf32>
      %eq3A_376 = arith.cmpf oeq, %while3A_370, %eq3A_375 : vector<392x128xf32>
      %jit3A_377 = arith.constant 1 : i32
      %jit3A_378 = arith.constant 0 : i32
      %broadcast_in_dim3A_379 = vector.broadcast %jit3A_377 : i32 to vector<392x128xi32>
      %broadcast_in_dim3A_380 = vector.broadcast %jit3A_378 : i32 to vector<392x128xi32>
      %select_n3A_381 = arith.select %eq3A_376, %broadcast_in_dim3A_379, %broadcast_in_dim3A_380 : vector<392x128xi1>, vector<392x128xi32>
      %reduce_sum3A_382 = vector.shape_cast %select_n3A_381 : vector<392x128xi32> to vector<1x392x128xi32>
      %reduce_sum3A_383 = arith.constant dense<0> : vector<1xi32>
      %reduce_sum3A_384 = vector.multi_reduction <add>, %reduce_sum3A_382, %reduce_sum3A_383 [1, 2] : vector<1x392x128xi32> to vector<1xi32>
      %reduce_sum3A_385 = vector.shape_cast %reduce_sum3A_384 : vector<1xi32> to vector<1x1x1xi32>
      %reduce_sum3A_386 = vector.extract %reduce_sum3A_385[0, 0, 0] : i32 from vector<1x1x1xi32>
      %ge3A_387 = vector.broadcast %while3A_373 : i32 to vector<1x64xi32>
      %ge3A_388 = arith.cmpi sge, %iota3A_14, %ge3A_387 : vector<1x64xi32>
      %add3A_389 = arith.addi %while3A_373, %reduce_sum3A_386 : i32
      %lt3A = vector.broadcast %add3A_389 : i32 to vector<1x64xi32>
      %lt3A_390 = arith.cmpi slt, %iota3A_14, %lt3A : vector<1x64xi32>
      %and3A_391 = arith.andi %ge3A_388, %lt3A_390 : vector<1x64xi1>
      %broadcast_in_dim3A_392 = vector.broadcast %while3A_374 : f32 to vector<1x64xf32>
      %select_n3A_393 = arith.select %and3A_391, %broadcast_in_dim3A_392, %while3A_372 : vector<1x64xi1>, vector<1x64xf32>
      %select_n3A_394 = arith.select %eq3A_376, %while3A_371, %while3A_370 : vector<392x128xi1>, vector<392x128xf32>
      %jit3A_395 = arith.constant -3.400000e+38 : f32
      %broadcast_in_dim3A_396 = vector.broadcast %jit3A_395 : f32 to vector<392x128xf32>
      %select_n3A_397 = arith.select %eq3A_376, %broadcast_in_dim3A_396, %while3A_371 : vector<392x128xi1>, vector<392x128xf32>
      %add3A_398 = arith.addi %while3A_373, %reduce_sum3A_386 : i32
      %reduce_max3A_399 = vector.shape_cast %select_n3A_394 : vector<392x128xf32> to vector<1x392x128xf32>
      %reduce_max3A_400 = arith.constant dense<0xFF800000> : vector<1xf32>
      %reduce_max3A_401 = vector.multi_reduction <maximumf>, %reduce_max3A_399, %reduce_max3A_400 [1, 2] : vector<1x392x128xf32> to vector<1xf32>
      %reduce_max3A_402 = vector.shape_cast %reduce_max3A_401 : vector<1xf32> to vector<1x1x1xf32>
      %reduce_max3A_403 = vector.extract %reduce_max3A_402[0, 0, 0] : f32 from vector<1x1x1xf32>
      scf.yield %select_n3A_394, %select_n3A_397, %select_n3A_393, %add3A_398, %reduce_max3A_403 : vector<392x128xf32>, vector<392x128xf32>, vector<1x64xf32>, i32, f32
    }
    %sub3A = arith.constant 1 : i32
    %sub3A_24 = arith.subi %min3A, %sub3A : i32
    %eq3A = vector.broadcast %sub3A_24 : i32 to vector<1x64xi32>
    %eq3A_25 = arith.cmpi eq, %iota3A_14, %eq3A : vector<1x64xi32>
    %jit3A_26 = arith.constant 0.000000e+00 : f32
    %broadcast_in_dim3A_27 = vector.broadcast %jit3A_26 : f32 to vector<1x64xf32>
    %select_n3A = arith.select %eq3A_25, %while3A_23#2, %broadcast_in_dim3A_27 : vector<1x64xi1>, vector<1x64xf32>
    %reduce_sum3A = vector.shape_cast %select_n3A : vector<1x64xf32> to vector<1x1x64xf32>
    %reduce_sum3A_28 = arith.constant dense<0.000000e+00> : vector<1xf32>
    %reduce_sum3A_29 = vector.multi_reduction <add>, %reduce_sum3A, %reduce_sum3A_28 [1, 2] : vector<1x1x64xf32> to vector<1xf32>
    %reduce_sum3A_30 = vector.shape_cast %reduce_sum3A_29 : vector<1xf32> to vector<1x1x1xf32>
    %reduce_sum3A_31 = vector.extract %reduce_sum3A_30[0, 0, 0] : f32 from vector<1x1x1xf32>
    %reduce_max3A_32 = vector.shape_cast %while3A_23#2 : vector<1x64xf32> to vector<1x1x64xf32>
    %reduce_max3A_33 = arith.constant dense<0xFF800000> : vector<1xf32>
    %reduce_max3A_34 = vector.multi_reduction <maximumf>, %reduce_max3A_32, %reduce_max3A_33 [1, 2] : vector<1x1x64xf32> to vector<1xf32>
    %reduce_max3A_35 = vector.shape_cast %reduce_max3A_34 : vector<1xf32> to vector<1x1x1xf32>
    %reduce_max3A_36 = vector.extract %reduce_max3A_35[0, 0, 0] : f32 from vector<1x1x1xf32>
    %sub3A_37 = vector.broadcast %reduce_max3A_36 : f32 to vector<1x64xf32>
    %sub3A_38 = arith.subf %while3A_23#2, %sub3A_37 : vector<1x64xf32>
    %exp3A = math.exp %sub3A_38 : vector<1x64xf32>
    %ge3A = vector.broadcast %reduce_sum3A_31 : f32 to vector<1x64xf32>
    %ge3A_39 = arith.cmpf oge, %while3A_23#2, %ge3A : vector<1x64xf32>
    %jit3A_40 = arith.constant 0.000000e+00 : f32
    %broadcast_in_dim3A_41 = vector.broadcast %jit3A_40 : f32 to vector<1x64xf32>
    %select_n3A_42 = arith.select %ge3A_39, %exp3A, %broadcast_in_dim3A_41 : vector<1x64xi1>, vector<1x64xf32>
    %reduce_sum3A_43 = vector.shape_cast %select_n3A_42 : vector<1x64xf32> to vector<1x1x64xf32>
    %reduce_sum3A_44 = arith.constant dense<0.000000e+00> : vector<1xf32>
    %reduce_sum3A_45 = vector.multi_reduction <add>, %reduce_sum3A_43, %reduce_sum3A_44 [1, 2] : vector<1x1x64xf32> to vector<1xf32>
    %reduce_sum3A_46 = vector.shape_cast %reduce_sum3A_45 : vector<1xf32> to vector<1x1x1xf32>
    %reduce_sum3A_47 = vector.extract %reduce_sum3A_46[0, 0, 0] : f32 from vector<1x1x1xf32>
    %div3A = vector.broadcast %reduce_sum3A_47 : f32 to vector<1x64xf32>
    %div3A_48 = arith.divf %select_n3A_42, %div3A : vector<1x64xf32>
    %broadcast_in_dim3A_49 = arith.constant 0.000000e+00 : f32
    %broadcast_in_dim3A_50 = vector.broadcast %broadcast_in_dim3A_49 : f32 to vector<1x64xf32>
    %scan3A = arith.constant 0.000000e+00 : f32
    %scan3A_51 = arith.constant 0 : i32
    %scan3A_52 = arith.constant 64 : i32
    %scan3A_53 = arith.addi %scan3A_51, %scan3A_52 : i32
    %scan3A_54 = arith.constant 1 : i32
    %scan3A_55:2 = scf.for %scan3A_370 = %scan3A_51 to %scan3A_53 step %scan3A_54 iter_args(%scan3A_371 = %scan3A, %scan3A_372 = %broadcast_in_dim3A_50) -> (f32, vector<1x64xf32>)  : i32 {
      %eq3A_373 = vector.broadcast %scan3A_370 : i32 to vector<1x64xi32>
      %eq3A_374 = arith.cmpi eq, %iota3A_14, %eq3A_373 : vector<1x64xi32>
      %jit3A_375 = arith.constant 0.000000e+00 : f32
      %broadcast_in_dim3A_376 = vector.broadcast %jit3A_375 : f32 to vector<1x64xf32>
      %select_n3A_377 = arith.select %eq3A_374, %div3A_48, %broadcast_in_dim3A_376 : vector<1x64xi1>, vector<1x64xf32>
      %reduce_sum3A_378 = vector.shape_cast %select_n3A_377 : vector<1x64xf32> to vector<1x1x64xf32>
      %reduce_sum3A_379 = arith.constant dense<0.000000e+00> : vector<1xf32>
      %reduce_sum3A_380 = vector.multi_reduction <add>, %reduce_sum3A_378, %reduce_sum3A_379 [1, 2] : vector<1x1x64xf32> to vector<1xf32>
      %reduce_sum3A_381 = vector.shape_cast %reduce_sum3A_380 : vector<1xf32> to vector<1x1x1xf32>
      %reduce_sum3A_382 = vector.extract %reduce_sum3A_381[0, 0, 0] : f32 from vector<1x1x1xf32>
      %add3A_383 = arith.addf %scan3A_371, %reduce_sum3A_382 : f32
      %eq3A_384 = vector.broadcast %scan3A_370 : i32 to vector<1x64xi32>
      %eq3A_385 = arith.cmpi eq, %iota3A_14, %eq3A_384 : vector<1x64xi32>
      %broadcast_in_dim3A_386 = vector.broadcast %add3A_383 : f32 to vector<1x64xf32>
      %select_n3A_387 = arith.select %eq3A_385, %broadcast_in_dim3A_386, %scan3A_372 : vector<1x64xi1>, vector<1x64xf32>
      scf.yield %add3A_383, %select_n3A_387 : f32, vector<1x64xf32>
    }
    %scan3A_56 = arith.constant 64 : i32
    %sub3A_57 = arith.subf %scan3A_55#1, %div3A_48 : vector<1x64xf32>
    %le3A = vector.broadcast %get3A_10 : f32 to vector<1x64xf32>
    %le3A_58 = arith.cmpf ole, %sub3A_57, %le3A : vector<1x64xf32>
    %jit3A_59 = arith.constant 0x7F800000 : f32
    %broadcast_in_dim3A_60 = vector.broadcast %jit3A_59 : f32 to vector<1x64xf32>
    %select_n3A_61 = arith.select %le3A_58, %div3A_48, %broadcast_in_dim3A_60 : vector<1x64xi1>, vector<1x64xf32>
    %reduce_min3A = vector.shape_cast %select_n3A_61 : vector<1x64xf32> to vector<1x1x64xf32>
    %reduce_min3A_62 = arith.constant dense<0x7F800000> : vector<1xf32>
    %reduce_min3A_63 = vector.multi_reduction <minimumf>, %reduce_min3A, %reduce_min3A_62 [1, 2] : vector<1x1x64xf32> to vector<1xf32>
    %reduce_min3A_64 = vector.shape_cast %reduce_min3A_63 : vector<1xf32> to vector<1x1x1xf32>
    %reduce_min3A_65 = vector.extract %reduce_min3A_64[0, 0, 0] : f32 from vector<1x1x1xf32>
    %reduce_max3A_66 = vector.shape_cast %scan3A_55#1 : vector<1x64xf32> to vector<1x1x64xf32>
    %reduce_max3A_67 = arith.constant dense<0xFF800000> : vector<1xf32>
    %reduce_max3A_68 = vector.multi_reduction <maximumf>, %reduce_max3A_66, %reduce_max3A_67 [1, 2] : vector<1x1x64xf32> to vector<1xf32>
    %reduce_max3A_69 = vector.shape_cast %reduce_max3A_68 : vector<1xf32> to vector<1x1x1xf32>
    %reduce_max3A_70 = vector.extract %reduce_max3A_69[0, 0, 0] : f32 from vector<1x1x1xf32>
    %le3A_71 = arith.cmpf ole, %reduce_max3A_70, %get3A_10 : f32
    %jit3A_72 = arith.constant 0.000000e+00 : f32
    %select_n3A_73 = arith.select %le3A_71, %jit3A_72, %reduce_min3A_65 : f32
    %ge3A_74 = vector.broadcast %select_n3A_73 : f32 to vector<1x64xf32>
    %ge3A_75 = arith.cmpf oge, %div3A_48, %ge3A_74 : vector<1x64xf32>
    %ge3A_76 = vector.broadcast %reduce_sum3A_31 : f32 to vector<1x64xf32>
    %ge3A_77 = arith.cmpf oge, %while3A_23#2, %ge3A_76 : vector<1x64xf32>
    %and3A = arith.andi %ge3A_75, %ge3A_77 : vector<1x64xi1>
    %jit3A_78 = arith.constant 0x7F800000 : f32
    %broadcast_in_dim3A_79 = vector.broadcast %jit3A_78 : f32 to vector<1x64xf32>
    %select_n3A_80 = arith.select %and3A, %while3A_23#2, %broadcast_in_dim3A_79 : vector<1x64xi1>, vector<1x64xf32>
    %reduce_min3A_81 = vector.shape_cast %select_n3A_80 : vector<1x64xf32> to vector<1x1x64xf32>
    %reduce_min3A_82 = arith.constant dense<0x7F800000> : vector<1xf32>
    %reduce_min3A_83 = vector.multi_reduction <minimumf>, %reduce_min3A_81, %reduce_min3A_82 [1, 2] : vector<1x1x64xf32> to vector<1xf32>
    %reduce_min3A_84 = vector.shape_cast %reduce_min3A_83 : vector<1xf32> to vector<1x1x1xf32>
    %reduce_min3A_85 = vector.extract %reduce_min3A_84[0, 0, 0] : f32 from vector<1x1x1xf32>
    %mul3A_86 = arith.constant 100000 : i32
    %mul3A_87 = arith.muli %arg0, %mul3A_86 : i32
    %add3A_88 = vector.broadcast %mul3A_87 : i32 to vector<784x128xi32>
    %add3A_89 = arith.addi %add3A_88, %add3A : vector<784x128xi32>
    %ge3A_90 = vector.broadcast %reduce_min3A_85 : f32 to vector<784x128xf32>
    %ge3A_91 = arith.cmpf oge, %get3A_3, %ge3A_90 : vector<784x128xf32>
    %div3A_92 = vector.broadcast %get3A_12 : f32 to vector<784x128xf32>
    %div3A_93 = arith.divf %get3A_3, %div3A_92 : vector<784x128xf32>
    %broadcast_in_dim3A_94 = arith.constant 0 : i32
    %broadcast_in_dim3A_95 = vector.broadcast %broadcast_in_dim3A_94 : i32 to vector<784x128xi32>
    %add3A_96 = arith.constant 0 : i32
    %add3A_97 = vector.broadcast %add3A_96 : i32 to vector<784x128xi32>
    %add3A_98 = arith.addi %broadcast_in_dim3A_95, %add3A_97 : vector<784x128xi32>
    %add3A_99 = arith.constant 0 : i32
    %add3A_100 = vector.broadcast %add3A_99 : i32 to vector<784x128xi32>
    %add3A_101 = arith.addi %add3A_89, %add3A_100 : vector<784x128xi32>
    %add3A_102 = arith.addi %add3A_98, %add3A_101 : vector<784x128xi32>
    %shift_left3A = arith.constant 13 : i32
    %shift_left3A_103 = vector.broadcast %shift_left3A : i32 to vector<784x128xi32>
    %shift_left3A_104 = arith.shli %add3A_101, %shift_left3A_103 : vector<784x128xi32>
    %shift_right_logical3A = arith.constant 19 : i32
    %shift_right_logical3A_105 = vector.broadcast %shift_right_logical3A : i32 to vector<784x128xi32>
    %shift_right_logical3A_106 = arith.shrui %add3A_101, %shift_right_logical3A_105 : vector<784x128xi32>
    %or3A = arith.ori %shift_left3A_104, %shift_right_logical3A_106 : vector<784x128xi32>
    %xor3A = arith.xori %add3A_102, %or3A : vector<784x128xi32>
    %add3A_107 = arith.addi %add3A_102, %xor3A : vector<784x128xi32>
    %shift_left3A_108 = arith.constant 15 : i32
    %shift_left3A_109 = vector.broadcast %shift_left3A_108 : i32 to vector<784x128xi32>
    %shift_left3A_110 = arith.shli %xor3A, %shift_left3A_109 : vector<784x128xi32>
    %shift_right_logical3A_111 = arith.constant 17 : i32
    %shift_right_logical3A_112 = vector.broadcast %shift_right_logical3A_111 : i32 to vector<784x128xi32>
    %shift_right_logical3A_113 = arith.shrui %xor3A, %shift_right_logical3A_112 : vector<784x128xi32>
    %or3A_114 = arith.ori %shift_left3A_110, %shift_right_logical3A_113 : vector<784x128xi32>
    %xor3A_115 = arith.xori %add3A_107, %or3A_114 : vector<784x128xi32>
    %add3A_116 = arith.addi %add3A_107, %xor3A_115 : vector<784x128xi32>
    %shift_left3A_117 = arith.constant 26 : i32
    %shift_left3A_118 = vector.broadcast %shift_left3A_117 : i32 to vector<784x128xi32>
    %shift_left3A_119 = arith.shli %xor3A_115, %shift_left3A_118 : vector<784x128xi32>
    %shift_right_logical3A_120 = arith.constant 6 : i32
    %shift_right_logical3A_121 = vector.broadcast %shift_right_logical3A_120 : i32 to vector<784x128xi32>
    %shift_right_logical3A_122 = arith.shrui %xor3A_115, %shift_right_logical3A_121 : vector<784x128xi32>
    %or3A_123 = arith.ori %shift_left3A_119, %shift_right_logical3A_122 : vector<784x128xi32>
    %xor3A_124 = arith.xori %add3A_116, %or3A_123 : vector<784x128xi32>
    %add3A_125 = arith.addi %add3A_116, %xor3A_124 : vector<784x128xi32>
    %shift_left3A_126 = arith.constant 6 : i32
    %shift_left3A_127 = vector.broadcast %shift_left3A_126 : i32 to vector<784x128xi32>
    %shift_left3A_128 = arith.shli %xor3A_124, %shift_left3A_127 : vector<784x128xi32>
    %shift_right_logical3A_129 = arith.constant 26 : i32
    %shift_right_logical3A_130 = vector.broadcast %shift_right_logical3A_129 : i32 to vector<784x128xi32>
    %shift_right_logical3A_131 = arith.shrui %xor3A_124, %shift_right_logical3A_130 : vector<784x128xi32>
    %or3A_132 = arith.ori %shift_left3A_128, %shift_right_logical3A_131 : vector<784x128xi32>
    %xor3A_133 = arith.xori %add3A_125, %or3A_132 : vector<784x128xi32>
    %add3A_134 = arith.constant 0 : i32
    %add3A_135 = vector.broadcast %add3A_134 : i32 to vector<784x128xi32>
    %add3A_136 = arith.addi %add3A_125, %add3A_135 : vector<784x128xi32>
    %add3A_137 = arith.constant 466688986 : i32
    %add3A_138 = vector.broadcast %add3A_137 : i32 to vector<784x128xi32>
    %add3A_139 = arith.addi %xor3A_133, %add3A_138 : vector<784x128xi32>
    %add3A_140 = arith.constant 1 : i32
    %add3A_141 = vector.broadcast %add3A_140 : i32 to vector<784x128xi32>
    %add3A_142 = arith.addi %add3A_139, %add3A_141 : vector<784x128xi32>
    %add3A_143 = arith.addi %add3A_136, %add3A_142 : vector<784x128xi32>
    %shift_left3A_144 = arith.constant 17 : i32
    %shift_left3A_145 = vector.broadcast %shift_left3A_144 : i32 to vector<784x128xi32>
    %shift_left3A_146 = arith.shli %add3A_142, %shift_left3A_145 : vector<784x128xi32>
    %shift_right_logical3A_147 = arith.constant 15 : i32
    %shift_right_logical3A_148 = vector.broadcast %shift_right_logical3A_147 : i32 to vector<784x128xi32>
    %shift_right_logical3A_149 = arith.shrui %add3A_142, %shift_right_logical3A_148 : vector<784x128xi32>
    %or3A_150 = arith.ori %shift_left3A_146, %shift_right_logical3A_149 : vector<784x128xi32>
    %xor3A_151 = arith.xori %add3A_143, %or3A_150 : vector<784x128xi32>
    %add3A_152 = arith.addi %add3A_143, %xor3A_151 : vector<784x128xi32>
    %shift_left3A_153 = arith.constant 29 : i32
    %shift_left3A_154 = vector.broadcast %shift_left3A_153 : i32 to vector<784x128xi32>
    %shift_left3A_155 = arith.shli %xor3A_151, %shift_left3A_154 : vector<784x128xi32>
    %shift_right_logical3A_156 = arith.constant 3 : i32
    %shift_right_logical3A_157 = vector.broadcast %shift_right_logical3A_156 : i32 to vector<784x128xi32>
    %shift_right_logical3A_158 = arith.shrui %xor3A_151, %shift_right_logical3A_157 : vector<784x128xi32>
    %or3A_159 = arith.ori %shift_left3A_155, %shift_right_logical3A_158 : vector<784x128xi32>
    %xor3A_160 = arith.xori %add3A_152, %or3A_159 : vector<784x128xi32>
    %add3A_161 = arith.addi %add3A_152, %xor3A_160 : vector<784x128xi32>
    %shift_left3A_162 = arith.constant 16 : i32
    %shift_left3A_163 = vector.broadcast %shift_left3A_162 : i32 to vector<784x128xi32>
    %shift_left3A_164 = arith.shli %xor3A_160, %shift_left3A_163 : vector<784x128xi32>
    %shift_right_logical3A_165 = arith.constant 16 : i32
    %shift_right_logical3A_166 = vector.broadcast %shift_right_logical3A_165 : i32 to vector<784x128xi32>
    %shift_right_logical3A_167 = arith.shrui %xor3A_160, %shift_right_logical3A_166 : vector<784x128xi32>
    %or3A_168 = arith.ori %shift_left3A_164, %shift_right_logical3A_167 : vector<784x128xi32>
    %xor3A_169 = arith.xori %add3A_161, %or3A_168 : vector<784x128xi32>
    %add3A_170 = arith.addi %add3A_161, %xor3A_169 : vector<784x128xi32>
    %shift_left3A_171 = arith.constant 24 : i32
    %shift_left3A_172 = vector.broadcast %shift_left3A_171 : i32 to vector<784x128xi32>
    %shift_left3A_173 = arith.shli %xor3A_169, %shift_left3A_172 : vector<784x128xi32>
    %shift_right_logical3A_174 = arith.constant 8 : i32
    %shift_right_logical3A_175 = vector.broadcast %shift_right_logical3A_174 : i32 to vector<784x128xi32>
    %shift_right_logical3A_176 = arith.shrui %xor3A_169, %shift_right_logical3A_175 : vector<784x128xi32>
    %or3A_177 = arith.ori %shift_left3A_173, %shift_right_logical3A_176 : vector<784x128xi32>
    %xor3A_178 = arith.xori %add3A_170, %or3A_177 : vector<784x128xi32>
    %add3A_179 = arith.constant 466688986 : i32
    %add3A_180 = vector.broadcast %add3A_179 : i32 to vector<784x128xi32>
    %add3A_181 = arith.addi %add3A_170, %add3A_180 : vector<784x128xi32>
    %add3A_182 = arith.constant 0 : i32
    %add3A_183 = vector.broadcast %add3A_182 : i32 to vector<784x128xi32>
    %add3A_184 = arith.addi %xor3A_178, %add3A_183 : vector<784x128xi32>
    %add3A_185 = arith.constant 2 : i32
    %add3A_186 = vector.broadcast %add3A_185 : i32 to vector<784x128xi32>
    %add3A_187 = arith.addi %add3A_184, %add3A_186 : vector<784x128xi32>
    %add3A_188 = arith.addi %add3A_181, %add3A_187 : vector<784x128xi32>
    %shift_left3A_189 = arith.constant 13 : i32
    %shift_left3A_190 = vector.broadcast %shift_left3A_189 : i32 to vector<784x128xi32>
    %shift_left3A_191 = arith.shli %add3A_187, %shift_left3A_190 : vector<784x128xi32>
    %shift_right_logical3A_192 = arith.constant 19 : i32
    %shift_right_logical3A_193 = vector.broadcast %shift_right_logical3A_192 : i32 to vector<784x128xi32>
    %shift_right_logical3A_194 = arith.shrui %add3A_187, %shift_right_logical3A_193 : vector<784x128xi32>
    %or3A_195 = arith.ori %shift_left3A_191, %shift_right_logical3A_194 : vector<784x128xi32>
    %xor3A_196 = arith.xori %add3A_188, %or3A_195 : vector<784x128xi32>
    %add3A_197 = arith.addi %add3A_188, %xor3A_196 : vector<784x128xi32>
    %shift_left3A_198 = arith.constant 15 : i32
    %shift_left3A_199 = vector.broadcast %shift_left3A_198 : i32 to vector<784x128xi32>
    %shift_left3A_200 = arith.shli %xor3A_196, %shift_left3A_199 : vector<784x128xi32>
    %shift_right_logical3A_201 = arith.constant 17 : i32
    %shift_right_logical3A_202 = vector.broadcast %shift_right_logical3A_201 : i32 to vector<784x128xi32>
    %shift_right_logical3A_203 = arith.shrui %xor3A_196, %shift_right_logical3A_202 : vector<784x128xi32>
    %or3A_204 = arith.ori %shift_left3A_200, %shift_right_logical3A_203 : vector<784x128xi32>
    %xor3A_205 = arith.xori %add3A_197, %or3A_204 : vector<784x128xi32>
    %add3A_206 = arith.addi %add3A_197, %xor3A_205 : vector<784x128xi32>
    %shift_left3A_207 = arith.constant 26 : i32
    %shift_left3A_208 = vector.broadcast %shift_left3A_207 : i32 to vector<784x128xi32>
    %shift_left3A_209 = arith.shli %xor3A_205, %shift_left3A_208 : vector<784x128xi32>
    %shift_right_logical3A_210 = arith.constant 6 : i32
    %shift_right_logical3A_211 = vector.broadcast %shift_right_logical3A_210 : i32 to vector<784x128xi32>
    %shift_right_logical3A_212 = arith.shrui %xor3A_205, %shift_right_logical3A_211 : vector<784x128xi32>
    %or3A_213 = arith.ori %shift_left3A_209, %shift_right_logical3A_212 : vector<784x128xi32>
    %xor3A_214 = arith.xori %add3A_206, %or3A_213 : vector<784x128xi32>
    %add3A_215 = arith.addi %add3A_206, %xor3A_214 : vector<784x128xi32>
    %shift_left3A_216 = arith.constant 6 : i32
    %shift_left3A_217 = vector.broadcast %shift_left3A_216 : i32 to vector<784x128xi32>
    %shift_left3A_218 = arith.shli %xor3A_214, %shift_left3A_217 : vector<784x128xi32>
    %shift_right_logical3A_219 = arith.constant 26 : i32
    %shift_right_logical3A_220 = vector.broadcast %shift_right_logical3A_219 : i32 to vector<784x128xi32>
    %shift_right_logical3A_221 = arith.shrui %xor3A_214, %shift_right_logical3A_220 : vector<784x128xi32>
    %or3A_222 = arith.ori %shift_left3A_218, %shift_right_logical3A_221 : vector<784x128xi32>
    %xor3A_223 = arith.xori %add3A_215, %or3A_222 : vector<784x128xi32>
    %add3A_224 = arith.constant 0 : i32
    %add3A_225 = vector.broadcast %add3A_224 : i32 to vector<784x128xi32>
    %add3A_226 = arith.addi %add3A_215, %add3A_225 : vector<784x128xi32>
    %add3A_227 = arith.constant 0 : i32
    %add3A_228 = vector.broadcast %add3A_227 : i32 to vector<784x128xi32>
    %add3A_229 = arith.addi %xor3A_223, %add3A_228 : vector<784x128xi32>
    %add3A_230 = arith.constant 3 : i32
    %add3A_231 = vector.broadcast %add3A_230 : i32 to vector<784x128xi32>
    %add3A_232 = arith.addi %add3A_229, %add3A_231 : vector<784x128xi32>
    %add3A_233 = arith.addi %add3A_226, %add3A_232 : vector<784x128xi32>
    %shift_left3A_234 = arith.constant 17 : i32
    %shift_left3A_235 = vector.broadcast %shift_left3A_234 : i32 to vector<784x128xi32>
    %shift_left3A_236 = arith.shli %add3A_232, %shift_left3A_235 : vector<784x128xi32>
    %shift_right_logical3A_237 = arith.constant 15 : i32
    %shift_right_logical3A_238 = vector.broadcast %shift_right_logical3A_237 : i32 to vector<784x128xi32>
    %shift_right_logical3A_239 = arith.shrui %add3A_232, %shift_right_logical3A_238 : vector<784x128xi32>
    %or3A_240 = arith.ori %shift_left3A_236, %shift_right_logical3A_239 : vector<784x128xi32>
    %xor3A_241 = arith.xori %add3A_233, %or3A_240 : vector<784x128xi32>
    %add3A_242 = arith.addi %add3A_233, %xor3A_241 : vector<784x128xi32>
    %shift_left3A_243 = arith.constant 29 : i32
    %shift_left3A_244 = vector.broadcast %shift_left3A_243 : i32 to vector<784x128xi32>
    %shift_left3A_245 = arith.shli %xor3A_241, %shift_left3A_244 : vector<784x128xi32>
    %shift_right_logical3A_246 = arith.constant 3 : i32
    %shift_right_logical3A_247 = vector.broadcast %shift_right_logical3A_246 : i32 to vector<784x128xi32>
    %shift_right_logical3A_248 = arith.shrui %xor3A_241, %shift_right_logical3A_247 : vector<784x128xi32>
    %or3A_249 = arith.ori %shift_left3A_245, %shift_right_logical3A_248 : vector<784x128xi32>
    %xor3A_250 = arith.xori %add3A_242, %or3A_249 : vector<784x128xi32>
    %add3A_251 = arith.addi %add3A_242, %xor3A_250 : vector<784x128xi32>
    %shift_left3A_252 = arith.constant 16 : i32
    %shift_left3A_253 = vector.broadcast %shift_left3A_252 : i32 to vector<784x128xi32>
    %shift_left3A_254 = arith.shli %xor3A_250, %shift_left3A_253 : vector<784x128xi32>
    %shift_right_logical3A_255 = arith.constant 16 : i32
    %shift_right_logical3A_256 = vector.broadcast %shift_right_logical3A_255 : i32 to vector<784x128xi32>
    %shift_right_logical3A_257 = arith.shrui %xor3A_250, %shift_right_logical3A_256 : vector<784x128xi32>
    %or3A_258 = arith.ori %shift_left3A_254, %shift_right_logical3A_257 : vector<784x128xi32>
    %xor3A_259 = arith.xori %add3A_251, %or3A_258 : vector<784x128xi32>
    %add3A_260 = arith.addi %add3A_251, %xor3A_259 : vector<784x128xi32>
    %shift_left3A_261 = arith.constant 24 : i32
    %shift_left3A_262 = vector.broadcast %shift_left3A_261 : i32 to vector<784x128xi32>
    %shift_left3A_263 = arith.shli %xor3A_259, %shift_left3A_262 : vector<784x128xi32>
    %shift_right_logical3A_264 = arith.constant 8 : i32
    %shift_right_logical3A_265 = vector.broadcast %shift_right_logical3A_264 : i32 to vector<784x128xi32>
    %shift_right_logical3A_266 = arith.shrui %xor3A_259, %shift_right_logical3A_265 : vector<784x128xi32>
    %or3A_267 = arith.ori %shift_left3A_263, %shift_right_logical3A_266 : vector<784x128xi32>
    %xor3A_268 = arith.xori %add3A_260, %or3A_267 : vector<784x128xi32>
    %add3A_269 = arith.constant 0 : i32
    %add3A_270 = vector.broadcast %add3A_269 : i32 to vector<784x128xi32>
    %add3A_271 = arith.addi %add3A_260, %add3A_270 : vector<784x128xi32>
    %add3A_272 = arith.constant 466688986 : i32
    %add3A_273 = vector.broadcast %add3A_272 : i32 to vector<784x128xi32>
    %add3A_274 = arith.addi %xor3A_268, %add3A_273 : vector<784x128xi32>
    %add3A_275 = arith.constant 4 : i32
    %add3A_276 = vector.broadcast %add3A_275 : i32 to vector<784x128xi32>
    %add3A_277 = arith.addi %add3A_274, %add3A_276 : vector<784x128xi32>
    %add3A_278 = arith.addi %add3A_271, %add3A_277 : vector<784x128xi32>
    %shift_left3A_279 = arith.constant 13 : i32
    %shift_left3A_280 = vector.broadcast %shift_left3A_279 : i32 to vector<784x128xi32>
    %shift_left3A_281 = arith.shli %add3A_277, %shift_left3A_280 : vector<784x128xi32>
    %shift_right_logical3A_282 = arith.constant 19 : i32
    %shift_right_logical3A_283 = vector.broadcast %shift_right_logical3A_282 : i32 to vector<784x128xi32>
    %shift_right_logical3A_284 = arith.shrui %add3A_277, %shift_right_logical3A_283 : vector<784x128xi32>
    %or3A_285 = arith.ori %shift_left3A_281, %shift_right_logical3A_284 : vector<784x128xi32>
    %xor3A_286 = arith.xori %add3A_278, %or3A_285 : vector<784x128xi32>
    %add3A_287 = arith.addi %add3A_278, %xor3A_286 : vector<784x128xi32>
    %shift_left3A_288 = arith.constant 15 : i32
    %shift_left3A_289 = vector.broadcast %shift_left3A_288 : i32 to vector<784x128xi32>
    %shift_left3A_290 = arith.shli %xor3A_286, %shift_left3A_289 : vector<784x128xi32>
    %shift_right_logical3A_291 = arith.constant 17 : i32
    %shift_right_logical3A_292 = vector.broadcast %shift_right_logical3A_291 : i32 to vector<784x128xi32>
    %shift_right_logical3A_293 = arith.shrui %xor3A_286, %shift_right_logical3A_292 : vector<784x128xi32>
    %or3A_294 = arith.ori %shift_left3A_290, %shift_right_logical3A_293 : vector<784x128xi32>
    %xor3A_295 = arith.xori %add3A_287, %or3A_294 : vector<784x128xi32>
    %add3A_296 = arith.addi %add3A_287, %xor3A_295 : vector<784x128xi32>
    %shift_left3A_297 = arith.constant 26 : i32
    %shift_left3A_298 = vector.broadcast %shift_left3A_297 : i32 to vector<784x128xi32>
    %shift_left3A_299 = arith.shli %xor3A_295, %shift_left3A_298 : vector<784x128xi32>
    %shift_right_logical3A_300 = arith.constant 6 : i32
    %shift_right_logical3A_301 = vector.broadcast %shift_right_logical3A_300 : i32 to vector<784x128xi32>
    %shift_right_logical3A_302 = arith.shrui %xor3A_295, %shift_right_logical3A_301 : vector<784x128xi32>
    %or3A_303 = arith.ori %shift_left3A_299, %shift_right_logical3A_302 : vector<784x128xi32>
    %xor3A_304 = arith.xori %add3A_296, %or3A_303 : vector<784x128xi32>
    %add3A_305 = arith.addi %add3A_296, %xor3A_304 : vector<784x128xi32>
    %shift_left3A_306 = arith.constant 6 : i32
    %shift_left3A_307 = vector.broadcast %shift_left3A_306 : i32 to vector<784x128xi32>
    %shift_left3A_308 = arith.shli %xor3A_304, %shift_left3A_307 : vector<784x128xi32>
    %shift_right_logical3A_309 = arith.constant 26 : i32
    %shift_right_logical3A_310 = vector.broadcast %shift_right_logical3A_309 : i32 to vector<784x128xi32>
    %shift_right_logical3A_311 = arith.shrui %xor3A_304, %shift_right_logical3A_310 : vector<784x128xi32>
    %or3A_312 = arith.ori %shift_left3A_308, %shift_right_logical3A_311 : vector<784x128xi32>
    %xor3A_313 = arith.xori %add3A_305, %or3A_312 : vector<784x128xi32>
    %add3A_314 = arith.constant 466688986 : i32
    %add3A_315 = vector.broadcast %add3A_314 : i32 to vector<784x128xi32>
    %add3A_316 = arith.addi %add3A_305, %add3A_315 : vector<784x128xi32>
    %add3A_317 = arith.constant 0 : i32
    %add3A_318 = vector.broadcast %add3A_317 : i32 to vector<784x128xi32>
    %add3A_319 = arith.addi %xor3A_313, %add3A_318 : vector<784x128xi32>
    %add3A_320 = arith.constant 5 : i32
    %add3A_321 = vector.broadcast %add3A_320 : i32 to vector<784x128xi32>
    %add3A_322 = arith.addi %add3A_319, %add3A_321 : vector<784x128xi32>
    %xor3A_323 = arith.xori %add3A_316, %add3A_322 : vector<784x128xi32>
    %shift_right_logical3A_324 = arith.constant 9 : i32
    %shift_right_logical3A_325 = vector.broadcast %shift_right_logical3A_324 : i32 to vector<784x128xi32>
    %shift_right_logical3A_326 = arith.shrui %xor3A_323, %shift_right_logical3A_325 : vector<784x128xi32>
    %or3A_327 = arith.constant 1065353216 : i32
    %or3A_328 = vector.broadcast %or3A_327 : i32 to vector<784x128xi32>
    %or3A_329 = arith.ori %shift_right_logical3A_326, %or3A_328 : vector<784x128xi32>
    %bitcast_convert_type3A = tpu.bitcast %or3A_329 : vector<784x128xi32> -> vector<784x128xf32>
    %sub3A_330 = arith.constant 1.000000e+00 : f32
    %sub3A_331 = vector.broadcast %sub3A_330 : f32 to vector<784x128xf32>
    %sub3A_332 = arith.subf %bitcast_convert_type3A, %sub3A_331 : vector<784x128xf32>
    %sub3A_333 = arith.constant 1.000000e+00 : f32
    %sub3A_334 = arith.constant 1.17549435E-38 : f32
    %sub3A_335 = arith.subf %sub3A_333, %sub3A_334 : f32
    %mul3A_336 = vector.broadcast %sub3A_335 : f32 to vector<784x128xf32>
    %mul3A_337 = arith.mulf %sub3A_332, %mul3A_336 : vector<784x128xf32>
    %add3A_338 = arith.constant 1.17549435E-38 : f32
    %add3A_339 = vector.broadcast %add3A_338 : f32 to vector<784x128xf32>
    %add3A_340 = arith.addf %mul3A_337, %add3A_339 : vector<784x128xf32>
    %max3A_341 = arith.constant 1.17549435E-38 : f32
    %max3A_342 = vector.broadcast %max3A_341 : f32 to vector<784x128xf32>
    %max3A_343 = arith.maximumf %max3A_342, %add3A_340 : vector<784x128xf32>
    %log3A = math.log %max3A_343 : vector<784x128xf32>
    %neg3A = arith.constant 0.000000e+00 : f32
    %neg3A_344 = vector.broadcast %neg3A : f32 to vector<784x128xf32>
    %neg3A_345 = arith.subf %neg3A_344, %log3A : vector<784x128xf32>
    %log3A_346 = math.log %neg3A_345 : vector<784x128xf32>
    %neg3A_347 = arith.constant 0.000000e+00 : f32
    %neg3A_348 = vector.broadcast %neg3A_347 : f32 to vector<784x128xf32>
    %neg3A_349 = arith.subf %neg3A_348, %log3A_346 : vector<784x128xf32>
    %add3A_350 = arith.addf %div3A_93, %neg3A_349 : vector<784x128xf32>
    %jit3A_351 = arith.constant -3.400000e+38 : f32
    %broadcast_in_dim3A_352 = vector.broadcast %jit3A_351 : f32 to vector<784x128xf32>
    %select_n3A_353 = arith.select %ge3A_91, %add3A_350, %broadcast_in_dim3A_352 : vector<784x128xi1>, vector<784x128xf32>
    %reduce_max3A_354 = vector.shape_cast %select_n3A_353 : vector<784x128xf32> to vector<1x784x128xf32>
    %reduce_max3A_355 = arith.constant dense<0xFF800000> : vector<1xf32>
    %reduce_max3A_356 = vector.multi_reduction <maximumf>, %reduce_max3A_354, %reduce_max3A_355 [1, 2] : vector<1x784x128xf32> to vector<1xf32>
    %reduce_max3A_357 = vector.shape_cast %reduce_max3A_356 : vector<1xf32> to vector<1x1x1xf32>
    %reduce_max3A_358 = vector.extract %reduce_max3A_357[0, 0, 0] : f32 from vector<1x1x1xf32>
    %eq3A_359 = vector.broadcast %reduce_max3A_358 : f32 to vector<784x128xf32>
    %eq3A_360 = arith.cmpf oeq, %select_n3A_353, %eq3A_359 : vector<784x128xf32>
    %jit3A_361 = arith.constant 2147483647 : i32
    %broadcast_in_dim3A_362 = vector.broadcast %jit3A_361 : i32 to vector<784x128xi32>
    %select_n3A_363 = arith.select %eq3A_360, %add3A, %broadcast_in_dim3A_362 : vector<784x128xi1>, vector<784x128xi32>
    %reduce_min3A_364 = vector.shape_cast %select_n3A_363 : vector<784x128xi32> to vector<1x784x128xi32>
    %reduce_min3A_365 = arith.constant dense<2147483647> : vector<1xi32>
    %reduce_min3A_366 = vector.multi_reduction <minsi>, %reduce_min3A_364, %reduce_min3A_365 [1, 2] : vector<1x784x128xi32> to vector<1xi32>
    %reduce_min3A_367 = vector.shape_cast %reduce_min3A_366 : vector<1xi32> to vector<1x1x1xi32>
    %reduce_min3A_368 = vector.extract %reduce_min3A_367[0, 0, 0] : i32 from vector<1x1x1xi32>
    %swap3A = arith.index_cast %arg0 : i32 to index
    %swap3A_369 = memref.load %arg5[%swap3A] : memref<128xi32, #tpu.memory_space<smem>>
    memref.store %reduce_min3A_368, %arg5[%swap3A] : memref<128xi32, #tpu.memory_space<smem>>
    return
  }
  func.func @transform_0(%arg0: i32) -> (i32, i32, i32) {
    %c0_i32 = arith.constant 0 : i32
    %c0_i32_0 = arith.constant 0 : i32
    %c0_i32_1 = arith.constant 0 : i32
    return %arg0, %c0_i32, %c0_i32_0 : i32, i32, i32
  }
  func.func @transform_1(%arg0: i32) -> i32 {
    %c0_i32 = arith.constant 0 : i32
    %c0_i32_0 = arith.constant 0 : i32
    return %c0_i32 : i32
  }
  func.func @transform_2(%arg0: i32) -> i32 {
    %c0_i32 = arith.constant 0 : i32
    %c0_i32_0 = arith.constant 0 : i32
    return %c0_i32 : i32
  }
  func.func @transform_3(%arg0: i32) -> i32 {
    %c0_i32 = arith.constant 0 : i32
    %c0_i32_0 = arith.constant 0 : i32
    return %c0_i32 : i32
  }
  func.func @transform_4(%arg0: i32) -> i32 {
    %c0_i32 = arith.constant 0 : i32
    %c0_i32_0 = arith.constant 0 : i32
    return %c0_i32 : i32
  }
}

</mosaic_0001>

<sc_bundles>
// kernel: sparse-core-data-format-call.cloned.1.call-start
scs
called_computation_lowered:
.L_overlay_start_0:
0x0: {  	s1 =	sld [smem:$0x3FD9]  }
0x1: {  	s2 =	sld [smem:$0x3FFE];
	_ =	sdelay $0x1  }
0x2: {  	s3 =	srdreg.scid  }
0x3: {  	s0 =	sand.u32 $0x1, s3  }
0x4: {  	s17 =	sshll.u32 s0, $0xA;
	s1 =	sadd.s32 s2, s1  }
0x5: {  	s1 =	sadd.s32 s1, s17  }
0x6: {  	[smem:$0x3FC3] =	sst s1  }
0x7: {  	_ = 	snop  }
0x8: {  	(tm) =	ssettm $0x1  }
0x9: {  	s18 =	sld [smem:$0x3FFB];
	_ =	sdelay $0x3  }
0xa: {  	_ =	strace s18  }
0xb: {  	s1 =	sld [smem:$0x3FFC];
	_ =	sdelay $0x3  }
0xc: {  	_ =	strace s1  }
0xd: {  	s1 =	sld [smem:$0x3FFD];
	_ =	sdelay $0x3  }
0xe: {  	_ =	strace s1  }
0xf: {  	_ =	strace $0x8FFFFFFF  }
0x10: {  	s19 =	sld [smem:$0x3FDB];
	_ =	sdelay $0x1  }
0x11: {  	s20 =	simm.s32 $_scs_section_size  }
0x12: {  	s4 =	simm.s32 $_size__tile_overlayer_lowered;
	s5 =	simm.s32 $_tile_overlayer_lowered  }
0x13: {  	s23 =	simm.s32 $0x1BFF;
	s22 =	sshll.u32 s5, $0x1;
	s1 =	sadd.s32 s20, s19  }
0x14: {  	s6 =	simm.s32 $0x0;
	s21 =	sshll.u32 s4, $0x1;
	s4 =	sadd.s32 s22, s1  }
0x15: {  	[timem:s6], [sflag:s23] =	dma.local [hbm:s4], s21  }
0x16: {  	_ =	swait.ge [sflag:s23], s21  }
0x17: {  	s2 =	ssub.s32 $0x0, s21;
	[sflag:s23] =	ssyncset.done $0x0  }
0x18: {  	[sflag:s23] =	ssyncadd.s32 s2;
	_ =	sdelay $0x1  }
0x19: {  	s24 =	simm.s32 $0x1B8B  }
0x1a: {  	_ =	swait.ge [sflag:s24], $0x1  }
0x1b: {  	[sflag:s24] =	ssyncset.done $0x0  }
0x1c: {  	s26 =	simm.s32 $0x1B8E;
	s25 =	sld [smem:$0x3FFE];
	[sflag:s24] =	ssyncadd.s32 $0xFFFFFFFF  }
0x1d: {  	s27 =	simm.s32 $execute0_lowered;
	[smem:$0x3FD2] =	sst s26  }
0x1e: {  	s4 =	sshll.u32 s27, $0x1;
	_ =	strace $0x80000046;
	[dreg:$0x1] =	wrdreg $0xFFFFFFFF  }
0x1f: {  	s28 =	simm.s32 $_size_execute0_lowered;
	s1 =	sadd.s32 s1, s4;
	[dreg:$0x0] =	wrdreg $0x0  }
0x20: {  	s4 =	sshll.u32 s28, $0x1;
	[dreg:$0x2] =	wrdreg s1  }
0x21: {  	[dreg:$0x3] =	wrdreg s4  }
0x22: {  	[dreg:$0x4] =	wrdreg $0xC0  }
0x23: {  	_ =	task [dreg:s6], $0x5FFFF  }
0x24: {  	[dreg:$0x1] =	wrdreg $0xFFFFFFFF  }
0x25: {  	[dreg:$0x0] =	wrdreg $0x60  }
0x26: {  	[dreg:$0x2] =	wrdreg s25  }
0x27: {  	[dreg:$0x3] =	wrdreg $0x9  }
0x28: {  	_ =	task.clear_ibuf [dreg:s6], $0x4FFFF;
	_ =	strace $0x90000046  }
0x29: {  	s29 =	simm.s32 $0x9;
	_ =	strace $0x80000048  }
0x2a: {  	_ =	swait.ge [sflag:s29], $0x1  }
0x2b: {  	[sflag:s29] =	ssyncadd.s32 $0xFFFFFFFF  }
0x2c: {  	_ =	strace $0x90000048  }
0x2d: {  	_ =	sfence  }
0x2e: {  	s30 =	sld [smem:$0x0];
	_ =	sdelay $0x2  }
0x2f: {  	s31 =	sshll.u32 s3, $0xD;
	s3 =	sshrl.u32 s3, $0x2  }
0x30: {  	s2 =	sand.u32 $0x4000, s31;
	s1 =	sadd.s32 s3, s30  }
0x31: {  	s0 =	sor.u32 s2, s0;
	s1 =	sshll.u32 s1, $0x11  }
0x32: {  	s0 =	sor.u32 s1, s0  }
0x33: {  	s0 =	sadd.s32 $0x8F2B, s0  }
0x34: {  	[sflag:s0] =	ssyncadd.remote.s32 $0x1  }
0x35: {  	_ =	sfence.sel $0xFFFF  }
0x36: {  	[dreg:$0x0] =	wrdreg $0xFFFFFFFF;
	(pc) =	sbr.abs _section_cstart, $3  }
0x37: {  	[dreg:$0x1] =	wrdreg $0xFFFFFFFF  }
0x38: {  	_ =	task.clear_ibuf [dreg:s6], $0x2FFFF;
	_ =	strace $0x9FFFFFFF  }
0x39: {  	(tm) =	ssettm $0x7FFFFFFF  }
tec
execute0_lowered:
.L_overlay_start_1:
0x0: {  	(tag) =	ssettag $0x1  }
0x1: {  	s5 =	rddreg [dreg:$0x0]  }
0x2: {  	s1 =	srdreg.scid;
	s0 =	rddreg [dreg:$0x1]  }
0x3: {  	_ =	strace $0x80000047;
	s4 =	simm.s32 $0x1;
	s6 =	simm.s32 $0x2  }
0x4: {  	s12 =	simm.s32 $0x0;
	p0 =	por $0x0, $0x0;
	s2 =	sshll.u32 s1, $0x4  }
.Ltmp0:
0x5: {  	s1 =	stileid.u32;
	s3 =	sand.u32 $0x10, s2;
	(pc) =	sbr.rel .LBB1_1-.Ltmp0, $4  }
0x6: {  	s8 =	simm.s32 $0x80;
	s9 =	simm.s32 $0x18800;
	s3 =	sor.u32 s1, s3  }
0x7: {  	s11 =	simm.s32 $0x0;
	[sflag:s4] =	ssyncpa.u1 $0x0;
	s7 =	ssub.s32 $0x32F, s3  }
0x8: {  	s2 =	sadd.s32 $0x1200, s5;
	[sflag:s6] =	ssyncpa.u1 $0x0;
	s6 =	sshrl.u32 s7, $0x5  }
0x9: {  	s5 =	sadd.s32 $0x189200, s5;
	s10 =	smov.u32 s3;
	s7 =	sadd.s32 $0x1, s6  }
.LBB1_4:
0xa: {  	v5 =	vld [tilespmem:s16+$0xFFFFFFD0];
	[tilespmem:s15+$0x2040 ss:$0x81] =	vst.msk $0xffff, v1  }
0xb: {  	v58 =	vld [tilespmem:s16+$0xFFFFFFE0];
	[tilespmem:s15+$0x2850 ss:$0x81] =	vst.msk $0xffff, v3  }
0xc: {  	s17 =	sshra.s32 s17, $0x2;
	v59 =	vld [tilespmem:s16+$0xFFFFFFF0];
	[tilespmem:s15+$0x3060 ss:$0x81] =	vst.msk $0xffff, v4  }
0xd: {  	v60 =	vld [tilespmem:s16+$0x0];
	[tilespmem:s15+$0x0 ss:$0x81] =	vst.msk $0xffff, v0;
	s12 =	sand.u32 $0x1FFFFFF, s12;
	s14 =	sadd.s32 s17, s14  }
0xe: {  	v61 =	vld [tilespmem:s16+$0x10];
	s31 =	smulhi.u32 $0x14E5E0B, s12;
	[tilespmem:s14+$0x3870 ss:$0x81] =	vst.msk $0xffff, v2  }
0xf: {  	v62 =	vld [tilespmem:s16+$0x20];
	[tilespmem:s14+$0x810 ss:$0x81] =	vst.msk $0xffff, v5  }
0x10: {  	v63 =	vld [tilespmem:s16+$0xFFFFFFC0];
	s15 =	sshrl.u32 s31, $0x2;
	[tilespmem:s14+$0x1020 ss:$0x81] =	vst.msk $0xffff, v58  }
0x11: {  	s15 =	smul.u32 $0x310, s15;
	[tilespmem:s14+$0x1830 ss:$0x81] =	vst.msk $0xffff, v59  }
0x12: {  	[tilespmem:s14+$0x2040 ss:$0x81] =	vst.msk $0xffff, v60  }
0x13: {  	[tilespmem:s14+$0x2850 ss:$0x81] =	vst.msk $0xffff, v61;
	s12 =	ssub.s32 s12, s15  }
0x14: {  	[tilespmem:s14+$0x3060 ss:$0x81] =	vst.msk $0xffff, v62;
	s12 =	sshll.u32 s12, $0x4  }
0x15: {  	[tilespmem:s14+$0x0 ss:$0x81] =	vst.msk $0xffff, v63;
	s12 =	sadd.s32 s5, s12  }
0x16: {  	[hbm4b:s12+s8] =	stream.strided.scatter [tilespmem:s13], [sflag:$0x2], $0x4000, s9, s8, $0x20;
	[tilespmem:$0x10100] =	vst v63  }
.LBB1_5:
0x17: {  	s14 =	sadd.s32 $0x20, s10  }
0x18: {  	p2 =	sgt.s32 s14, $0x30F  }
0x19: {  	s14 =	smov.u32 @p2 s3;
	p2 =	sne.s32 s11, s7  }
.Ltmp1:
0x1a: {  	p1 =	slt.u32 s11, $0x2;
	(pc) =	sbr.rel @!p2 .LBB1_6-.Ltmp1, $4  }
0x1b: {  	s13 =	simm.s32 @!p1 $0x2  }
0x1c: {  	s15 =	sadd.s32 $0x1, s11;
	_ =	swait.ge @!p1 [sflag:s13], $0x4000  }
0x1d: {  	s12 =	smov.u32 s10;
	p0 =	por !p0, !p0;
	[sflag:s13] =	ssyncset.done @!p1 $0x0  }
0x1e: {  	s11 =	smov.u32 s15;
	s10 =	smov.u32 s14;
	[sflag:s13] =	ssyncadd.s32 @!p1 $0xFFFFC000  }
.LBB1_1:
0x1f: {  	p1 =	sge.u32 s11, s6  }
0x20: {  	s13 =	sxor.u32 @!p1 $0xFFFFFFFF, s11  }
0x21: {  	s31 =	sadd.s32 $0xFFFFFFFF, s11;
	s14 =	sshll.u32 @!p1 s10, $0xB;
	s13 =	sshll.u32 @!p1 s13, $0xE  }
0x22: {  	s15 =	simm.s32 @!p1 $0x0;
	s14 =	sadd.s32 @!p1 s2, s14;
	s13 =	sand.u32 @!p1 $0x4000, s13  }
0x23: {  	[tilespmem:s13], [sflag:$0x1] =	stream.linear.gather @!p1 [hbm4b:s14+s15], $0x4000, $0x38;
	[tilespmem:$0x10100] =	vst v63  }
0x24: {  	p1 =	sge.u32 s31, s6  }
.Ltmp2:
0x25: {  	_ = 	snop;
	(pc) =	sbr.rel @p1 .LBB1_5-.Ltmp2, $1  }
0x26: {  	_ =	sdelay $0x3  }
0x27: {  	s13 =	simm.s32 $0x1  }
0x28: {  	_ =	swait.ge [sflag:s4], $0x4000;
	s13 =	simm.s32 @!p0 $0x0  }
0x29: {  	[sflag:s4] =	ssyncset.done $0x0;
	s14 =	sshll.u32 s13, $0xE  }
0x2a: {  	[sflag:s4] =	ssyncadd.s32 $0xFFFFC000;
	s16 =	sor.u32 $0x40, s14  }
0x2b: {  	s13 =	smul.u32 $0x10200, s13;
	v0 =	vld [tilespmem:s16+$0x30]  }
0x2c: {  	v2 =	vld [tilespmem:s16+$0xFFFFFFD0]  }
0x2d: {  	s13 =	sshrl.u32 s13, $0x2;
	v5 =	vld [tilespmem:s16+$0xFFFFFFE0]  }
0x2e: {  	v6 =	vld [tilespmem:s16+$0xFFFFFFF0];
	s14 =	sor.u32 $0x8000, s13  }
0x2f: {  	s31 =	sand.u32 $0x1, s11;
	v1 =	vld [tilespmem:s16+$0x0];
	s15 =	sadd.s32 $0x0, s14  }
0x30: {  	v3 =	vld [tilespmem:s16+$0x10];
	s13 =	smul.u32 $0x10200, s31;
	[tilespmem:s15+$0x3870 ss:$0x81] =	vst.msk $0xffff, v0  }
0x31: {  	v4 =	vld [tilespmem:s16+$0x20];
	[tilespmem:s15+$0x810 ss:$0x81] =	vst.msk $0xffff, v2  }
0x32: {  	s13 =	sshrl.u32 s13, $0x2;
	v0 =	vld [tilespmem:s16+$0xFFFFFFC0];
	[tilespmem:s15+$0x1020 ss:$0x81] =	vst.msk $0xffff, v5;
	s16 =	sadd.s32 $0x80, s16  }
0x33: {  	s17 =	simm.s32 $0x4;
	s18 =	simm.s32 $0x8;
	s13 =	sor.u32 $0x8000, s13;
	[tilespmem:s15+$0x1830 ss:$0x81] =	vst.msk $0xffff, v6;
	v2 =	vld [tilespmem:s16+$0x30]  }
.LBB1_3:
0x34: {  	p1 =	sne.s32 s18, $0x1FC;
	v5 =	vld [tilespmem:s16+$0xFFFFFFD0];
	[tilespmem:s15+$0x2040 ss:$0x81] =	vst.msk $0xffff, v1  }
0x35: {  	v6 =	vld [tilespmem:s16+$0xFFFFFFE0];
	[tilespmem:s15+$0x2850 ss:$0x81] =	vst.msk $0xffff, v3  }
0x36: {  	s19 =	sshra.s32 s17, $0x2;
	s17 =	smov.u32 s18;
	v7 =	vld [tilespmem:s16+$0xFFFFFFF0];
	[tilespmem:s15+$0x3060 ss:$0x81] =	vst.msk $0xffff, v4  }
.Ltmp3:
0x37: {  	v1 =	vld [tilespmem:s16+$0x0];
	[tilespmem:s15+$0x0 ss:$0x81] =	vst.msk $0xffff, v0;
	s15 =	sadd.s32 s19, s14;
	(pc) =	sbr.rel @p1 .LBB1_3-.Ltmp3, $4  }
0x38: {  	v3 =	vld [tilespmem:s16+$0x10];
	[tilespmem:s15+$0x3870 ss:$0x81] =	vst.msk $0xffff, v2  }
0x39: {  	[tilespmem:s15+$0x810 ss:$0x81] =	vst.msk $0xffff, v5;
	v4 =	vld [tilespmem:s16+$0x20]  }
0x3a: {  	v0 =	vld [tilespmem:s16+$0xFFFFFFC0];
	[tilespmem:s15+$0x1020 ss:$0x81] =	vst.msk $0xffff, v6;
	s16 =	sadd.s32 $0x80, s16  }
0x3b: {  	s18 =	sadd.s32 $0x4, s18;
	v2 =	vld [tilespmem:s16+$0x30];
	[tilespmem:s15+$0x1830 ss:$0x81] =	vst.msk $0xffff, v7  }
.Ltmp4:
0x3c: {  	_ = 	snop;
	(pc) =	sbr.rel .LBB1_4-.Ltmp4, $1  }
0x3d: {  	_ =	sdelay $0x3  }
.LBB1_6:
0x3e: {  	_ =	sfence.sel $0x180000  }
0x3f: {  	s2 =	simm.s32 $0x1;
	[bflag:$0x0] =	sbarrier.arrive $0xFFFF  }
0x40: {  	s31 =	simm.s32 $0x2;
	[sflag:s2] =	ssyncpa.u1 $0x1  }
0x41: {  	[sflag:s31] =	ssyncpa.u1 $0x1  }
0x42: {  	p0 =	sne.s32 s1, $0x0;
	_ =	strace $0x90000047  }
0x43: {  	s0 =	sadd.s32 @!p0 $0x100000, s0;
	[bflag:$0x2] =	sbarrier.arrive $0xFFFF  }
0x44: {  	[sflag:s0] =	ssyncadd.tile.s32 @!p0 $0x1;
	_ =	shalt  }
.Lfunc_end1:
_tile_overlayer_lowered:
.L_overlay_start_2:
0x45: {  	(tag) =	ssettag $0x2  }
0x46: {  	s0 =	rddreg [dreg:$0x0];
	s2 =	stileid.u32  }
0x47: {  	s1 =	rddreg [dreg:$0x1];
	p0 =	sne.s32 s2, $0x0  }
0x48: {  	s3 =	rddreg [dreg:$0x2];
	[bflag:$0x3] =	sbarrier.arrive $0xFFFF;
	s2 =	simm.s32 @!p0 $0x1C01  }
0x49: {  	[timem:s3], [sflag:s2] =	dma.local @!p0 [hbm:s0], s1  }
0x4a: {  	s0 =	simm.s32 @!p0 $0x1  }
0x4b: {  	_ =	swait.ge @!p0 [sflag:s0], s1  }
0x4c: {  	s1 =	ssub.s32 @!p0 $0x0, s1;
	[sflag:s0] =	ssyncset.done @!p0 $0x0  }
0x4d: {  	[sflag:s0] =	ssyncadd.s32 @!p0 s1  }
0x4e: {  	[bflag:$0x3] =	sbarrier.arrive $0xFFFF  }
0x4f: {  	_ =	shalt  }

</sc_bundles>
